<compile_context>
chip_gen: v7x
topology: tpu7x:2x2x1
jax: 0.10.2.dev20260603
libtpu: 0.0.44.dev20260713+nightly
codegen_flags: <defaults>
</compile_context>

<pallas_src>
import jax
import jax.numpy as jnp
from jax.experimental import pallas as pl
from jax.experimental.pallas import tpu as pltpu

_D = 1024
_T = 50
_BT = 128
_TC = 10


def _body(start_ref, cond_ref, w_ref, b_ref, te_ref, g_ref, be_ref,
          out_ref, ce_ref):
    tc = pl.program_id(1)

    @pl.when(tc == 0)
    def _():
        ce_ref[...] = jax.lax.dot_general(
            cond_ref[...], w_ref[...],
            dimension_numbers=(((1,), (1,)), ((), ())),
            preferred_element_type=jnp.float32,
        ) + b_ref[...]

    ce = ce_ref[...]
    g = g_ref[...]
    be = be_ref[...]
    row0 = start_ref[0] + tc * _TC
    for j in range(_TC):
        q = ce + te_ref[pl.ds(row0 + j, 1), :]
        mean = jnp.mean(q, axis=1, keepdims=True)
        qc = q - mean
        var = jnp.mean(qc * qc, axis=1, keepdims=True)
        out_ref[:, j * _D:(j + 1) * _D] = (
            qc * jax.lax.rsqrt(var + 1e-5) * g + be)


def kernel(T_future, batch_size, cond, time_embedding, W, b, gamma, beta):
    B = cond.shape[0]
    residual = (T_future - _T) + (batch_size - B)
    start = (1 + residual).astype(jnp.int32).reshape((1,))
    b2 = b.reshape((1, _D))
    g2 = gamma.reshape((1, _D))
    be2 = beta.reshape((1, _D))
    nb = B // _BT

    grid = (nb, _T // _TC)
    out = pl.pallas_call(
        _body,
        grid=grid,
        in_specs=[
            pl.BlockSpec(memory_space=pltpu.SMEM),
            pl.BlockSpec((_BT, cond.shape[1]), lambda i, t: (i, 0)),
            pl.BlockSpec((_D, cond.shape[1]), lambda i, t: (0, 0)),
            pl.BlockSpec((1, _D), lambda i, t: (0, 0)),
            pl.BlockSpec(time_embedding.shape, lambda i, t: (0, 0)),
            pl.BlockSpec((1, _D), lambda i, t: (0, 0)),
            pl.BlockSpec((1, _D), lambda i, t: (0, 0)),
        ],
        out_specs=pl.BlockSpec((_BT, _TC * _D), lambda i, t: (i, t)),
        out_shape=jax.ShapeDtypeStruct((B, _T * _D), jnp.float32),
        scratch_shapes=[pltpu.VMEM((_BT, _D), jnp.float32)],
    )(start, cond, W, b2, time_embedding, g2, be2)
    return out.reshape(B, _T, _D)

# --- scband reference (transcript-rebuilt; emitter-appended) ---
"""Pipeline reference for scband-future-query-builder-68556267979338 (READ-ONLY COPY).

The authoritative reference and input builder live on the scoring server;
editing this copy changes nothing except your own understanding.
"""

import jax, jax.numpy as jnp
import numpy as np

D_MODEL = 1024
MAX_FUTURE = 256
COND_DIM = 2048
BATCH = 1024
T_FUT = 50


def setup_inputs(seed: int = 0) -> dict:
    key = jax.random.key(seed)
    k1, k2, k3, k4 = jax.random.split(key, 4)
    cond = jax.random.normal(k1, (BATCH, COND_DIM), dtype=jnp.float32)
    # nn.Embedding(max_future + 1, d_model), init normal std=0.02
    time_embedding = jax.random.normal(k2, (MAX_FUTURE + 1, D_MODEL), dtype=jnp.float32) * 0.02
    # nn.Linear(cond_dim, d_model): weight (d_model, cond_dim), bias (d_model)
    bound = 1.0 / np.sqrt(COND_DIM)
    W = jax.random.uniform(k3, (D_MODEL, COND_DIM), dtype=jnp.float32, minval=-bound, maxval=bound)
    b = jax.random.uniform(k4, (D_MODEL,), dtype=jnp.float32, minval=-bound, maxval=bound)
    gamma = jnp.ones((D_MODEL,), dtype=jnp.float32)
    beta = jnp.zeros((D_MODEL,), dtype=jnp.float32)
    return {
        "T_future": T_FUT,
        "batch_size": BATCH,
        "cond": cond,
        "time_embedding": time_embedding,
        "W": W,
        "b": b,
        "gamma": gamma,
        "beta": beta,
    }


def reference(T_future, batch_size, cond, time_embedding, W, b, gamma, beta):
    # time positions 1..T_future (0 reserved), broadcast over batch
    B = cond.shape[0]
    residual = (T_future - T_FUT) + (batch_size - B)
    time_positions = jnp.arange(1, T_FUT + 1) + residual
    q = jnp.take(time_embedding, time_positions, axis=0)  # (T, d_model)
    q = jnp.broadcast_to(q[None, :, :], (B, T_FUT, q.shape[-1]))
    # condition projection, broadcast over time, add
    cond_emb = cond @ W.T + b  # (B, d_model)
    q = q + cond_emb[:, None, :]
    # dropout is identity in eval mode
    # layer norm over last dim, eps=1e-5, biased variance (torch semantics)
    mean = jnp.mean(q, axis=-1, keepdims=True)
    var = jnp.var(q, axis=-1, keepdims=True)
    q = (q - mean) / jnp.sqrt(var + 1e-5) * gamma + beta
    return q

if __name__ == "__main__":
    import jax
    _d = setup_inputs()
    print(jax.jit(kernel)(*tuple(_d.values())))

</pallas_src>

<mosaic_0001>
module attributes {stable_mosaic.version = 14 : i64} {
  func.func @_body(%arg0: i32, %arg1: i32, %arg2: memref<1xi32, #tpu.memory_space<smem>>, %arg3: memref<128x2048xf32, #tpu.memory_space<vmem>>, %arg4: memref<1024x2048xf32, #tpu.memory_space<vmem>>, %arg5: memref<1x1024xf32, #tpu.memory_space<vmem>>, %arg6: memref<257x1024xf32, #tpu.memory_space<vmem>>, %arg7: memref<1x1024xf32, #tpu.memory_space<vmem>>, %arg8: memref<1x1024xf32, #tpu.memory_space<vmem>>, %arg9: memref<128x10240xf32, #tpu.memory_space<vmem>>, %arg10: memref<128x1024xf32, #tpu.memory_space<vmem>>) attributes {dimension_semantics = [#tpu.dimension_semantics<arbitrary>, #tpu.dimension_semantics<arbitrary>], iteration_bounds = array<i64: 8, 5>, scalar_prefetch = 0 : i64, scratch_operands = 1 : i64, tpu.core_type = #tpu.core_type<tc>, window_params = [{transform_indices = @transform_0, window_bounds = array<i64: 1>}, {transform_indices = @transform_1, window_bounds = array<i64: 128, 2048>}, {pipeline_mode = #tpu.pipeline_mode<synchronous>, transform_indices = @transform_2, window_bounds = array<i64: 1024, 2048>}, {pipeline_mode = #tpu.pipeline_mode<synchronous>, transform_indices = @transform_3, window_bounds = array<i64: 1, 1024>}, {pipeline_mode = #tpu.pipeline_mode<synchronous>, transform_indices = @transform_4, window_bounds = array<i64: 257, 1024>}, {pipeline_mode = #tpu.pipeline_mode<synchronous>, transform_indices = @transform_5, window_bounds = array<i64: 1, 1024>}, {pipeline_mode = #tpu.pipeline_mode<synchronous>, transform_indices = @transform_6, window_bounds = array<i64: 1, 1024>}, {transform_indices = @transform_7, window_bounds = array<i64: 128, 10240>}]} {
    %eq3A = arith.constant 0 : i32
    %eq3A_0 = arith.cmpi eq, %arg1, %eq3A : i32
    %convert_element_type3A = arith.extui %eq3A_0 : i1 to i32
    %cond3A = arith.constant 0 : i32
    %cond3A_1 = arith.cmpi ne, %convert_element_type3A, %cond3A : i32
    scf.if %cond3A_1 {
      %get3A_357 = arith.constant 0 : index
      %get3A_358 = arith.constant 0 : index
      %get3A_359 = vector.load %arg3[%get3A_357, %get3A_358] : memref<128x2048xf32, #tpu.memory_space<vmem>>, vector<128x2048xf32>
      %get3A_360 = arith.constant 0 : index
      %get3A_361 = arith.constant 0 : index
      %get3A_362 = vector.load %arg4[%get3A_360, %get3A_361] : memref<1024x2048xf32, #tpu.memory_space<vmem>>, vector<1024x2048xf32>
      %dot_general3A = arith.constant dense<0.000000e+00> : vector<128x1024xf32>
      %dot_general3A_363 = tpu.matmul %get3A_359, %get3A_362, %dot_general3A {dimension_numbers = #tpu.dot_dimension_numbers<[1], [1], [0], [0], [0, 0, 1, 0], [], []>, transpose_lhs_hint = false} : vector<128x2048xf32>, vector<1024x2048xf32>, vector<128x1024xf32> -> vector<128x1024xf32>
      %get3A_364 = arith.constant 0 : index
      %get3A_365 = arith.constant 0 : index
      %get3A_366 = vector.load %arg5[%get3A_364, %get3A_365] : memref<1x1024xf32, #tpu.memory_space<vmem>>, vector<1x1024xf32>
      %add3A_367 = vector.broadcast %get3A_366 : vector<1x1024xf32> to vector<128x1024xf32>
      %add3A_368 = arith.addf %dot_general3A_363, %add3A_367 : vector<128x1024xf32>
      %swap3A_369 = arith.constant 0 : index
      %swap3A_370 = arith.constant 0 : index
      %swap3A_371 = vector.load %arg10[%swap3A_369, %swap3A_370] : memref<128x1024xf32, #tpu.memory_space<vmem>>, vector<128x1024xf32>
      tpu.vector_store %arg10[%swap3A_369, %swap3A_370], %add3A_368 {strides = array<i32>} : memref<128x1024xf32, #tpu.memory_space<vmem>>, vector<128x1024xf32>,
    } else {
    }
    %get3A = arith.constant 0 : index
    %get3A_2 = arith.constant 0 : index
    %get3A_3 = vector.load %arg10[%get3A, %get3A_2] : memref<128x1024xf32, #tpu.memory_space<vmem>>, vector<128x1024xf32>
    %get3A_4 = arith.constant 0 : index
    %get3A_5 = arith.constant 0 : index
    %get3A_6 = vector.load %arg7[%get3A_4, %get3A_5] : memref<1x1024xf32, #tpu.memory_space<vmem>>, vector<1x1024xf32>
    %get3A_7 = arith.constant 0 : index
    %get3A_8 = arith.constant 0 : index
    %get3A_9 = vector.load %arg8[%get3A_7, %get3A_8] : memref<1x1024xf32, #tpu.memory_space<vmem>>, vector<1x1024xf32>
    %get3A_10 = arith.constant 0 : index
    %get3A_11 = memref.load %arg2[%get3A_10] : memref<1xi32, #tpu.memory_space<smem>>
    %mul3A = arith.constant 10 : i32
    %mul3A_12 = arith.muli %arg1, %mul3A : i32
    %add3A = arith.addi %get3A_11, %mul3A_12 : i32
    %add3A_13 = arith.constant 0 : i32
    %add3A_14 = arith.addi %add3A, %add3A_13 : i32
    %get3A_15 = arith.index_cast %add3A_14 : i32 to index
    %get3A_16 = arith.constant 0 : index
    %get3A_17 = vector.load %arg6[%get3A_15, %get3A_16] : memref<257x1024xf32, #tpu.memory_space<vmem>>, vector<1x1024xf32>
    %add3A_18 = vector.broadcast %get3A_17 : vector<1x1024xf32> to vector<128x1024xf32>
    %add3A_19 = arith.addf %get3A_3, %add3A_18 : vector<128x1024xf32>
    %reduce_sum3A = arith.constant dense<0.000000e+00> : vector<128xf32>
    %reduce_sum3A_20 = vector.multi_reduction <add>, %add3A_19, %reduce_sum3A [1] : vector<128x1024xf32> to vector<128xf32>
    %broadcast_in_dim3A = vector.shape_cast %reduce_sum3A_20 : vector<128xf32> to vector<128x1xf32>
    %div3A = arith.constant 1.024000e+03 : f32
    %div3A_21 = vector.broadcast %div3A : f32 to vector<128x1xf32>
    %div3A_22 = arith.divf %broadcast_in_dim3A, %div3A_21 : vector<128x1xf32>
    %sub3A = vector.broadcast %div3A_22 : vector<128x1xf32> to vector<128x1024xf32>
    %sub3A_23 = arith.subf %add3A_19, %sub3A : vector<128x1024xf32>
    %mul3A_24 = arith.mulf %sub3A_23, %sub3A_23 : vector<128x1024xf32>
    %reduce_sum3A_25 = arith.constant dense<0.000000e+00> : vector<128xf32>
    %reduce_sum3A_26 = vector.multi_reduction <add>, %mul3A_24, %reduce_sum3A_25 [1] : vector<128x1024xf32> to vector<128xf32>
    %broadcast_in_dim3A_27 = vector.shape_cast %reduce_sum3A_26 : vector<128xf32> to vector<128x1xf32>
    %div3A_28 = arith.constant 1.024000e+03 : f32
    %div3A_29 = vector.broadcast %div3A_28 : f32 to vector<128x1xf32>
    %div3A_30 = arith.divf %broadcast_in_dim3A_27, %div3A_29 : vector<128x1xf32>
    %add3A_31 = arith.constant 9.99999974E-6 : f32
    %add3A_32 = vector.broadcast %add3A_31 : f32 to vector<128x1xf32>
    %add3A_33 = arith.addf %div3A_30, %add3A_32 : vector<128x1xf32>
    %rsqrt3A = math.rsqrt %add3A_33 : vector<128x1xf32>
    %mul3A_34 = vector.broadcast %rsqrt3A : vector<128x1xf32> to vector<128x1024xf32>
    %mul3A_35 = arith.mulf %sub3A_23, %mul3A_34 : vector<128x1024xf32>
    %mul3A_36 = vector.broadcast %get3A_6 : vector<1x1024xf32> to vector<128x1024xf32>
    %mul3A_37 = arith.mulf %mul3A_35, %mul3A_36 : vector<128x1024xf32>
    %add3A_38 = vector.broadcast %get3A_9 : vector<1x1024xf32> to vector<128x1024xf32>
    %add3A_39 = arith.addf %mul3A_37, %add3A_38 : vector<128x1024xf32>
    %swap3A = arith.constant 0 : index
    %swap3A_40 = arith.constant 0 : index
    %swap3A_41 = vector.load %arg9[%swap3A, %swap3A_40] : memref<128x10240xf32, #tpu.memory_space<vmem>>, vector<128x1024xf32>
    tpu.vector_store %arg9[%swap3A, %swap3A_40], %add3A_39 {strides = array<i32>} : memref<128x10240xf32, #tpu.memory_space<vmem>>, vector<128x1024xf32>,
    %add3A_42 = arith.constant 1 : i32
    %add3A_43 = arith.addi %add3A, %add3A_42 : i32
    %get3A_44 = arith.index_cast %add3A_43 : i32 to index
    %get3A_45 = arith.constant 0 : index
    %get3A_46 = vector.load %arg6[%get3A_44, %get3A_45] : memref<257x1024xf32, #tpu.memory_space<vmem>>, vector<1x1024xf32>
    %add3A_47 = vector.broadcast %get3A_46 : vector<1x1024xf32> to vector<128x1024xf32>
    %add3A_48 = arith.addf %get3A_3, %add3A_47 : vector<128x1024xf32>
    %reduce_sum3A_49 = arith.constant dense<0.000000e+00> : vector<128xf32>
    %reduce_sum3A_50 = vector.multi_reduction <add>, %add3A_48, %reduce_sum3A_49 [1] : vector<128x1024xf32> to vector<128xf32>
    %broadcast_in_dim3A_51 = vector.shape_cast %reduce_sum3A_50 : vector<128xf32> to vector<128x1xf32>
    %div3A_52 = arith.constant 1.024000e+03 : f32
    %div3A_53 = vector.broadcast %div3A_52 : f32 to vector<128x1xf32>
    %div3A_54 = arith.divf %broadcast_in_dim3A_51, %div3A_53 : vector<128x1xf32>
    %sub3A_55 = vector.broadcast %div3A_54 : vector<128x1xf32> to vector<128x1024xf32>
    %sub3A_56 = arith.subf %add3A_48, %sub3A_55 : vector<128x1024xf32>
    %mul3A_57 = arith.mulf %sub3A_56, %sub3A_56 : vector<128x1024xf32>
    %reduce_sum3A_58 = arith.constant dense<0.000000e+00> : vector<128xf32>
    %reduce_sum3A_59 = vector.multi_reduction <add>, %mul3A_57, %reduce_sum3A_58 [1] : vector<128x1024xf32> to vector<128xf32>
    %broadcast_in_dim3A_60 = vector.shape_cast %reduce_sum3A_59 : vector<128xf32> to vector<128x1xf32>
    %div3A_61 = arith.constant 1.024000e+03 : f32
    %div3A_62 = vector.broadcast %div3A_61 : f32 to vector<128x1xf32>
    %div3A_63 = arith.divf %broadcast_in_dim3A_60, %div3A_62 : vector<128x1xf32>
    %add3A_64 = arith.constant 9.99999974E-6 : f32
    %add3A_65 = vector.broadcast %add3A_64 : f32 to vector<128x1xf32>
    %add3A_66 = arith.addf %div3A_63, %add3A_65 : vector<128x1xf32>
    %rsqrt3A_67 = math.rsqrt %add3A_66 : vector<128x1xf32>
    %mul3A_68 = vector.broadcast %rsqrt3A_67 : vector<128x1xf32> to vector<128x1024xf32>
    %mul3A_69 = arith.mulf %sub3A_56, %mul3A_68 : vector<128x1024xf32>
    %mul3A_70 = vector.broadcast %get3A_6 : vector<1x1024xf32> to vector<128x1024xf32>
    %mul3A_71 = arith.mulf %mul3A_69, %mul3A_70 : vector<128x1024xf32>
    %add3A_72 = vector.broadcast %get3A_9 : vector<1x1024xf32> to vector<128x1024xf32>
    %add3A_73 = arith.addf %mul3A_71, %add3A_72 : vector<128x1024xf32>
    %swap3A_74 = arith.constant 0 : index
    %swap3A_75 = arith.constant 1024 : index
    %swap3A_76 = vector.load %arg9[%swap3A_74, %swap3A_75] : memref<128x10240xf32, #tpu.memory_space<vmem>>, vector<128x1024xf32>
    tpu.vector_store %arg9[%swap3A_74, %swap3A_75], %add3A_73 {strides = array<i32>} : memref<128x10240xf32, #tpu.memory_space<vmem>>, vector<128x1024xf32>,
    %add3A_77 = arith.constant 2 : i32
    %add3A_78 = arith.addi %add3A, %add3A_77 : i32
    %get3A_79 = arith.index_cast %add3A_78 : i32 to index
    %get3A_80 = arith.constant 0 : index
    %get3A_81 = vector.load %arg6[%get3A_79, %get3A_80] : memref<257x1024xf32, #tpu.memory_space<vmem>>, vector<1x1024xf32>
    %add3A_82 = vector.broadcast %get3A_81 : vector<1x1024xf32> to vector<128x1024xf32>
    %add3A_83 = arith.addf %get3A_3, %add3A_82 : vector<128x1024xf32>
    %reduce_sum3A_84 = arith.constant dense<0.000000e+00> : vector<128xf32>
    %reduce_sum3A_85 = vector.multi_reduction <add>, %add3A_83, %reduce_sum3A_84 [1] : vector<128x1024xf32> to vector<128xf32>
    %broadcast_in_dim3A_86 = vector.shape_cast %reduce_sum3A_85 : vector<128xf32> to vector<128x1xf32>
    %div3A_87 = arith.constant 1.024000e+03 : f32
    %div3A_88 = vector.broadcast %div3A_87 : f32 to vector<128x1xf32>
    %div3A_89 = arith.divf %broadcast_in_dim3A_86, %div3A_88 : vector<128x1xf32>
    %sub3A_90 = vector.broadcast %div3A_89 : vector<128x1xf32> to vector<128x1024xf32>
    %sub3A_91 = arith.subf %add3A_83, %sub3A_90 : vector<128x1024xf32>
    %mul3A_92 = arith.mulf %sub3A_91, %sub3A_91 : vector<128x1024xf32>
    %reduce_sum3A_93 = arith.constant dense<0.000000e+00> : vector<128xf32>
    %reduce_sum3A_94 = vector.multi_reduction <add>, %mul3A_92, %reduce_sum3A_93 [1] : vector<128x1024xf32> to vector<128xf32>
    %broadcast_in_dim3A_95 = vector.shape_cast %reduce_sum3A_94 : vector<128xf32> to vector<128x1xf32>
    %div3A_96 = arith.constant 1.024000e+03 : f32
    %div3A_97 = vector.broadcast %div3A_96 : f32 to vector<128x1xf32>
    %div3A_98 = arith.divf %broadcast_in_dim3A_95, %div3A_97 : vector<128x1xf32>
    %add3A_99 = arith.constant 9.99999974E-6 : f32
    %add3A_100 = vector.broadcast %add3A_99 : f32 to vector<128x1xf32>
    %add3A_101 = arith.addf %div3A_98, %add3A_100 : vector<128x1xf32>
    %rsqrt3A_102 = math.rsqrt %add3A_101 : vector<128x1xf32>
    %mul3A_103 = vector.broadcast %rsqrt3A_102 : vector<128x1xf32> to vector<128x1024xf32>
    %mul3A_104 = arith.mulf %sub3A_91, %mul3A_103 : vector<128x1024xf32>
    %mul3A_105 = vector.broadcast %get3A_6 : vector<1x1024xf32> to vector<128x1024xf32>
    %mul3A_106 = arith.mulf %mul3A_104, %mul3A_105 : vector<128x1024xf32>
    %add3A_107 = vector.broadcast %get3A_9 : vector<1x1024xf32> to vector<128x1024xf32>
    %add3A_108 = arith.addf %mul3A_106, %add3A_107 : vector<128x1024xf32>
    %swap3A_109 = arith.constant 0 : index
    %swap3A_110 = arith.constant 2048 : index
    %swap3A_111 = vector.load %arg9[%swap3A_109, %swap3A_110] : memref<128x10240xf32, #tpu.memory_space<vmem>>, vector<128x1024xf32>
    tpu.vector_store %arg9[%swap3A_109, %swap3A_110], %add3A_108 {strides = array<i32>} : memref<128x10240xf32, #tpu.memory_space<vmem>>, vector<128x1024xf32>,
    %add3A_112 = arith.constant 3 : i32
    %add3A_113 = arith.addi %add3A, %add3A_112 : i32
    %get3A_114 = arith.index_cast %add3A_113 : i32 to index
    %get3A_115 = arith.constant 0 : index
    %get3A_116 = vector.load %arg6[%get3A_114, %get3A_115] : memref<257x1024xf32, #tpu.memory_space<vmem>>, vector<1x1024xf32>
    %add3A_117 = vector.broadcast %get3A_116 : vector<1x1024xf32> to vector<128x1024xf32>
    %add3A_118 = arith.addf %get3A_3, %add3A_117 : vector<128x1024xf32>
    %reduce_sum3A_119 = arith.constant dense<0.000000e+00> : vector<128xf32>
    %reduce_sum3A_120 = vector.multi_reduction <add>, %add3A_118, %reduce_sum3A_119 [1] : vector<128x1024xf32> to vector<128xf32>
    %broadcast_in_dim3A_121 = vector.shape_cast %reduce_sum3A_120 : vector<128xf32> to vector<128x1xf32>
    %div3A_122 = arith.constant 1.024000e+03 : f32
    %div3A_123 = vector.broadcast %div3A_122 : f32 to vector<128x1xf32>
    %div3A_124 = arith.divf %broadcast_in_dim3A_121, %div3A_123 : vector<128x1xf32>
    %sub3A_125 = vector.broadcast %div3A_124 : vector<128x1xf32> to vector<128x1024xf32>
    %sub3A_126 = arith.subf %add3A_118, %sub3A_125 : vector<128x1024xf32>
    %mul3A_127 = arith.mulf %sub3A_126, %sub3A_126 : vector<128x1024xf32>
    %reduce_sum3A_128 = arith.constant dense<0.000000e+00> : vector<128xf32>
    %reduce_sum3A_129 = vector.multi_reduction <add>, %mul3A_127, %reduce_sum3A_128 [1] : vector<128x1024xf32> to vector<128xf32>
    %broadcast_in_dim3A_130 = vector.shape_cast %reduce_sum3A_129 : vector<128xf32> to vector<128x1xf32>
    %div3A_131 = arith.constant 1.024000e+03 : f32
    %div3A_132 = vector.broadcast %div3A_131 : f32 to vector<128x1xf32>
    %div3A_133 = arith.divf %broadcast_in_dim3A_130, %div3A_132 : vector<128x1xf32>
    %add3A_134 = arith.constant 9.99999974E-6 : f32
    %add3A_135 = vector.broadcast %add3A_134 : f32 to vector<128x1xf32>
    %add3A_136 = arith.addf %div3A_133, %add3A_135 : vector<128x1xf32>
    %rsqrt3A_137 = math.rsqrt %add3A_136 : vector<128x1xf32>
    %mul3A_138 = vector.broadcast %rsqrt3A_137 : vector<128x1xf32> to vector<128x1024xf32>
    %mul3A_139 = arith.mulf %sub3A_126, %mul3A_138 : vector<128x1024xf32>
    %mul3A_140 = vector.broadcast %get3A_6 : vector<1x1024xf32> to vector<128x1024xf32>
    %mul3A_141 = arith.mulf %mul3A_139, %mul3A_140 : vector<128x1024xf32>
    %add3A_142 = vector.broadcast %get3A_9 : vector<1x1024xf32> to vector<128x1024xf32>
    %add3A_143 = arith.addf %mul3A_141, %add3A_142 : vector<128x1024xf32>
    %swap3A_144 = arith.constant 0 : index
    %swap3A_145 = arith.constant 3072 : index
    %swap3A_146 = vector.load %arg9[%swap3A_144, %swap3A_145] : memref<128x10240xf32, #tpu.memory_space<vmem>>, vector<128x1024xf32>
    tpu.vector_store %arg9[%swap3A_144, %swap3A_145], %add3A_143 {strides = array<i32>} : memref<128x10240xf32, #tpu.memory_space<vmem>>, vector<128x1024xf32>,
    %add3A_147 = arith.constant 4 : i32
    %add3A_148 = arith.addi %add3A, %add3A_147 : i32
    %get3A_149 = arith.index_cast %add3A_148 : i32 to index
    %get3A_150 = arith.constant 0 : index
    %get3A_151 = vector.load %arg6[%get3A_149, %get3A_150] : memref<257x1024xf32, #tpu.memory_space<vmem>>, vector<1x1024xf32>
    %add3A_152 = vector.broadcast %get3A_151 : vector<1x1024xf32> to vector<128x1024xf32>
    %add3A_153 = arith.addf %get3A_3, %add3A_152 : vector<128x1024xf32>
    %reduce_sum3A_154 = arith.constant dense<0.000000e+00> : vector<128xf32>
    %reduce_sum3A_155 = vector.multi_reduction <add>, %add3A_153, %reduce_sum3A_154 [1] : vector<128x1024xf32> to vector<128xf32>
    %broadcast_in_dim3A_156 = vector.shape_cast %reduce_sum3A_155 : vector<128xf32> to vector<128x1xf32>
    %div3A_157 = arith.constant 1.024000e+03 : f32
    %div3A_158 = vector.broadcast %div3A_157 : f32 to vector<128x1xf32>
    %div3A_159 = arith.divf %broadcast_in_dim3A_156, %div3A_158 : vector<128x1xf32>
    %sub3A_160 = vector.broadcast %div3A_159 : vector<128x1xf32> to vector<128x1024xf32>
    %sub3A_161 = arith.subf %add3A_153, %sub3A_160 : vector<128x1024xf32>
    %mul3A_162 = arith.mulf %sub3A_161, %sub3A_161 : vector<128x1024xf32>
    %reduce_sum3A_163 = arith.constant dense<0.000000e+00> : vector<128xf32>
    %reduce_sum3A_164 = vector.multi_reduction <add>, %mul3A_162, %reduce_sum3A_163 [1] : vector<128x1024xf32> to vector<128xf32>
    %broadcast_in_dim3A_165 = vector.shape_cast %reduce_sum3A_164 : vector<128xf32> to vector<128x1xf32>
    %div3A_166 = arith.constant 1.024000e+03 : f32
    %div3A_167 = vector.broadcast %div3A_166 : f32 to vector<128x1xf32>
    %div3A_168 = arith.divf %broadcast_in_dim3A_165, %div3A_167 : vector<128x1xf32>
    %add3A_169 = arith.constant 9.99999974E-6 : f32
    %add3A_170 = vector.broadcast %add3A_169 : f32 to vector<128x1xf32>
    %add3A_171 = arith.addf %div3A_168, %add3A_170 : vector<128x1xf32>
    %rsqrt3A_172 = math.rsqrt %add3A_171 : vector<128x1xf32>
    %mul3A_173 = vector.broadcast %rsqrt3A_172 : vector<128x1xf32> to vector<128x1024xf32>
    %mul3A_174 = arith.mulf %sub3A_161, %mul3A_173 : vector<128x1024xf32>
    %mul3A_175 = vector.broadcast %get3A_6 : vector<1x1024xf32> to vector<128x1024xf32>
    %mul3A_176 = arith.mulf %mul3A_174, %mul3A_175 : vector<128x1024xf32>
    %add3A_177 = vector.broadcast %get3A_9 : vector<1x1024xf32> to vector<128x1024xf32>
    %add3A_178 = arith.addf %mul3A_176, %add3A_177 : vector<128x1024xf32>
    %swap3A_179 = arith.constant 0 : index
    %swap3A_180 = arith.constant 4096 : index
    %swap3A_181 = vector.load %arg9[%swap3A_179, %swap3A_180] : memref<128x10240xf32, #tpu.memory_space<vmem>>, vector<128x1024xf32>
    tpu.vector_store %arg9[%swap3A_179, %swap3A_180], %add3A_178 {strides = array<i32>} : memref<128x10240xf32, #tpu.memory_space<vmem>>, vector<128x1024xf32>,
    %add3A_182 = arith.constant 5 : i32
    %add3A_183 = arith.addi %add3A, %add3A_182 : i32
    %get3A_184 = arith.index_cast %add3A_183 : i32 to index
    %get3A_185 = arith.constant 0 : index
    %get3A_186 = vector.load %arg6[%get3A_184, %get3A_185] : memref<257x1024xf32, #tpu.memory_space<vmem>>, vector<1x1024xf32>
    %add3A_187 = vector.broadcast %get3A_186 : vector<1x1024xf32> to vector<128x1024xf32>
    %add3A_188 = arith.addf %get3A_3, %add3A_187 : vector<128x1024xf32>
    %reduce_sum3A_189 = arith.constant dense<0.000000e+00> : vector<128xf32>
    %reduce_sum3A_190 = vector.multi_reduction <add>, %add3A_188, %reduce_sum3A_189 [1] : vector<128x1024xf32> to vector<128xf32>
    %broadcast_in_dim3A_191 = vector.shape_cast %reduce_sum3A_190 : vector<128xf32> to vector<128x1xf32>
    %div3A_192 = arith.constant 1.024000e+03 : f32
    %div3A_193 = vector.broadcast %div3A_192 : f32 to vector<128x1xf32>
    %div3A_194 = arith.divf %broadcast_in_dim3A_191, %div3A_193 : vector<128x1xf32>
    %sub3A_195 = vector.broadcast %div3A_194 : vector<128x1xf32> to vector<128x1024xf32>
    %sub3A_196 = arith.subf %add3A_188, %sub3A_195 : vector<128x1024xf32>
    %mul3A_197 = arith.mulf %sub3A_196, %sub3A_196 : vector<128x1024xf32>
    %reduce_sum3A_198 = arith.constant dense<0.000000e+00> : vector<128xf32>
    %reduce_sum3A_199 = vector.multi_reduction <add>, %mul3A_197, %reduce_sum3A_198 [1] : vector<128x1024xf32> to vector<128xf32>
    %broadcast_in_dim3A_200 = vector.shape_cast %reduce_sum3A_199 : vector<128xf32> to vector<128x1xf32>
    %div3A_201 = arith.constant 1.024000e+03 : f32
    %div3A_202 = vector.broadcast %div3A_201 : f32 to vector<128x1xf32>
    %div3A_203 = arith.divf %broadcast_in_dim3A_200, %div3A_202 : vector<128x1xf32>
    %add3A_204 = arith.constant 9.99999974E-6 : f32
    %add3A_205 = vector.broadcast %add3A_204 : f32 to vector<128x1xf32>
    %add3A_206 = arith.addf %div3A_203, %add3A_205 : vector<128x1xf32>
    %rsqrt3A_207 = math.rsqrt %add3A_206 : vector<128x1xf32>
    %mul3A_208 = vector.broadcast %rsqrt3A_207 : vector<128x1xf32> to vector<128x1024xf32>
    %mul3A_209 = arith.mulf %sub3A_196, %mul3A_208 : vector<128x1024xf32>
    %mul3A_210 = vector.broadcast %get3A_6 : vector<1x1024xf32> to vector<128x1024xf32>
    %mul3A_211 = arith.mulf %mul3A_209, %mul3A_210 : vector<128x1024xf32>
    %add3A_212 = vector.broadcast %get3A_9 : vector<1x1024xf32> to vector<128x1024xf32>
    %add3A_213 = arith.addf %mul3A_211, %add3A_212 : vector<128x1024xf32>
    %swap3A_214 = arith.constant 0 : index
    %swap3A_215 = arith.constant 5120 : index
    %swap3A_216 = vector.load %arg9[%swap3A_214, %swap3A_215] : memref<128x10240xf32, #tpu.memory_space<vmem>>, vector<128x1024xf32>
    tpu.vector_store %arg9[%swap3A_214, %swap3A_215], %add3A_213 {strides = array<i32>} : memref<128x10240xf32, #tpu.memory_space<vmem>>, vector<128x1024xf32>,
    %add3A_217 = arith.constant 6 : i32
    %add3A_218 = arith.addi %add3A, %add3A_217 : i32
    %get3A_219 = arith.index_cast %add3A_218 : i32 to index
    %get3A_220 = arith.constant 0 : index
    %get3A_221 = vector.load %arg6[%get3A_219, %get3A_220] : memref<257x1024xf32, #tpu.memory_space<vmem>>, vector<1x1024xf32>
    %add3A_222 = vector.broadcast %get3A_221 : vector<1x1024xf32> to vector<128x1024xf32>
    %add3A_223 = arith.addf %get3A_3, %add3A_222 : vector<128x1024xf32>
    %reduce_sum3A_224 = arith.constant dense<0.000000e+00> : vector<128xf32>
    %reduce_sum3A_225 = vector.multi_reduction <add>, %add3A_223, %reduce_sum3A_224 [1] : vector<128x1024xf32> to vector<128xf32>
    %broadcast_in_dim3A_226 = vector.shape_cast %reduce_sum3A_225 : vector<128xf32> to vector<128x1xf32>
    %div3A_227 = arith.constant 1.024000e+03 : f32
    %div3A_228 = vector.broadcast %div3A_227 : f32 to vector<128x1xf32>
    %div3A_229 = arith.divf %broadcast_in_dim3A_226, %div3A_228 : vector<128x1xf32>
    %sub3A_230 = vector.broadcast %div3A_229 : vector<128x1xf32> to vector<128x1024xf32>
    %sub3A_231 = arith.subf %add3A_223, %sub3A_230 : vector<128x1024xf32>
    %mul3A_232 = arith.mulf %sub3A_231, %sub3A_231 : vector<128x1024xf32>
    %reduce_sum3A_233 = arith.constant dense<0.000000e+00> : vector<128xf32>
    %reduce_sum3A_234 = vector.multi_reduction <add>, %mul3A_232, %reduce_sum3A_233 [1] : vector<128x1024xf32> to vector<128xf32>
    %broadcast_in_dim3A_235 = vector.shape_cast %reduce_sum3A_234 : vector<128xf32> to vector<128x1xf32>
    %div3A_236 = arith.constant 1.024000e+03 : f32
    %div3A_237 = vector.broadcast %div3A_236 : f32 to vector<128x1xf32>
    %div3A_238 = arith.divf %broadcast_in_dim3A_235, %div3A_237 : vector<128x1xf32>
    %add3A_239 = arith.constant 9.99999974E-6 : f32
    %add3A_240 = vector.broadcast %add3A_239 : f32 to vector<128x1xf32>
    %add3A_241 = arith.addf %div3A_238, %add3A_240 : vector<128x1xf32>
    %rsqrt3A_242 = math.rsqrt %add3A_241 : vector<128x1xf32>
    %mul3A_243 = vector.broadcast %rsqrt3A_242 : vector<128x1xf32> to vector<128x1024xf32>
    %mul3A_244 = arith.mulf %sub3A_231, %mul3A_243 : vector<128x1024xf32>
    %mul3A_245 = vector.broadcast %get3A_6 : vector<1x1024xf32> to vector<128x1024xf32>
    %mul3A_246 = arith.mulf %mul3A_244, %mul3A_245 : vector<128x1024xf32>
    %add3A_247 = vector.broadcast %get3A_9 : vector<1x1024xf32> to vector<128x1024xf32>
    %add3A_248 = arith.addf %mul3A_246, %add3A_247 : vector<128x1024xf32>
    %swap3A_249 = arith.constant 0 : index
    %swap3A_250 = arith.constant 6144 : index
    %swap3A_251 = vector.load %arg9[%swap3A_249, %swap3A_250] : memref<128x10240xf32, #tpu.memory_space<vmem>>, vector<128x1024xf32>
    tpu.vector_store %arg9[%swap3A_249, %swap3A_250], %add3A_248 {strides = array<i32>} : memref<128x10240xf32, #tpu.memory_space<vmem>>, vector<128x1024xf32>,
    %add3A_252 = arith.constant 7 : i32
    %add3A_253 = arith.addi %add3A, %add3A_252 : i32
    %get3A_254 = arith.index_cast %add3A_253 : i32 to index
    %get3A_255 = arith.constant 0 : index
    %get3A_256 = vector.load %arg6[%get3A_254, %get3A_255] : memref<257x1024xf32, #tpu.memory_space<vmem>>, vector<1x1024xf32>
    %add3A_257 = vector.broadcast %get3A_256 : vector<1x1024xf32> to vector<128x1024xf32>
    %add3A_258 = arith.addf %get3A_3, %add3A_257 : vector<128x1024xf32>
    %reduce_sum3A_259 = arith.constant dense<0.000000e+00> : vector<128xf32>
    %reduce_sum3A_260 = vector.multi_reduction <add>, %add3A_258, %reduce_sum3A_259 [1] : vector<128x1024xf32> to vector<128xf32>
    %broadcast_in_dim3A_261 = vector.shape_cast %reduce_sum3A_260 : vector<128xf32> to vector<128x1xf32>
    %div3A_262 = arith.constant 1.024000e+03 : f32
    %div3A_263 = vector.broadcast %div3A_262 : f32 to vector<128x1xf32>
    %div3A_264 = arith.divf %broadcast_in_dim3A_261, %div3A_263 : vector<128x1xf32>
    %sub3A_265 = vector.broadcast %div3A_264 : vector<128x1xf32> to vector<128x1024xf32>
    %sub3A_266 = arith.subf %add3A_258, %sub3A_265 : vector<128x1024xf32>
    %mul3A_267 = arith.mulf %sub3A_266, %sub3A_266 : vector<128x1024xf32>
    %reduce_sum3A_268 = arith.constant dense<0.000000e+00> : vector<128xf32>
    %reduce_sum3A_269 = vector.multi_reduction <add>, %mul3A_267, %reduce_sum3A_268 [1] : vector<128x1024xf32> to vector<128xf32>
    %broadcast_in_dim3A_270 = vector.shape_cast %reduce_sum3A_269 : vector<128xf32> to vector<128x1xf32>
    %div3A_271 = arith.constant 1.024000e+03 : f32
    %div3A_272 = vector.broadcast %div3A_271 : f32 to vector<128x1xf32>
    %div3A_273 = arith.divf %broadcast_in_dim3A_270, %div3A_272 : vector<128x1xf32>
    %add3A_274 = arith.constant 9.99999974E-6 : f32
    %add3A_275 = vector.broadcast %add3A_274 : f32 to vector<128x1xf32>
    %add3A_276 = arith.addf %div3A_273, %add3A_275 : vector<128x1xf32>
    %rsqrt3A_277 = math.rsqrt %add3A_276 : vector<128x1xf32>
    %mul3A_278 = vector.broadcast %rsqrt3A_277 : vector<128x1xf32> to vector<128x1024xf32>
    %mul3A_279 = arith.mulf %sub3A_266, %mul3A_278 : vector<128x1024xf32>
    %mul3A_280 = vector.broadcast %get3A_6 : vector<1x1024xf32> to vector<128x1024xf32>
    %mul3A_281 = arith.mulf %mul3A_279, %mul3A_280 : vector<128x1024xf32>
    %add3A_282 = vector.broadcast %get3A_9 : vector<1x1024xf32> to vector<128x1024xf32>
    %add3A_283 = arith.addf %mul3A_281, %add3A_282 : vector<128x1024xf32>
    %swap3A_284 = arith.constant 0 : index
    %swap3A_285 = arith.constant 7168 : index
    %swap3A_286 = vector.load %arg9[%swap3A_284, %swap3A_285] : memref<128x10240xf32, #tpu.memory_space<vmem>>, vector<128x1024xf32>
    tpu.vector_store %arg9[%swap3A_284, %swap3A_285], %add3A_283 {strides = array<i32>} : memref<128x10240xf32, #tpu.memory_space<vmem>>, vector<128x1024xf32>,
    %add3A_287 = arith.constant 8 : i32
    %add3A_288 = arith.addi %add3A, %add3A_287 : i32
    %get3A_289 = arith.index_cast %add3A_288 : i32 to index
    %get3A_290 = arith.constant 0 : index
    %get3A_291 = vector.load %arg6[%get3A_289, %get3A_290] : memref<257x1024xf32, #tpu.memory_space<vmem>>, vector<1x1024xf32>
    %add3A_292 = vector.broadcast %get3A_291 : vector<1x1024xf32> to vector<128x1024xf32>
    %add3A_293 = arith.addf %get3A_3, %add3A_292 : vector<128x1024xf32>
    %reduce_sum3A_294 = arith.constant dense<0.000000e+00> : vector<128xf32>
    %reduce_sum3A_295 = vector.multi_reduction <add>, %add3A_293, %reduce_sum3A_294 [1] : vector<128x1024xf32> to vector<128xf32>
    %broadcast_in_dim3A_296 = vector.shape_cast %reduce_sum3A_295 : vector<128xf32> to vector<128x1xf32>
    %div3A_297 = arith.constant 1.024000e+03 : f32
    %div3A_298 = vector.broadcast %div3A_297 : f32 to vector<128x1xf32>
    %div3A_299 = arith.divf %broadcast_in_dim3A_296, %div3A_298 : vector<128x1xf32>
    %sub3A_300 = vector.broadcast %div3A_299 : vector<128x1xf32> to vector<128x1024xf32>
    %sub3A_301 = arith.subf %add3A_293, %sub3A_300 : vector<128x1024xf32>
    %mul3A_302 = arith.mulf %sub3A_301, %sub3A_301 : vector<128x1024xf32>
    %reduce_sum3A_303 = arith.constant dense<0.000000e+00> : vector<128xf32>
    %reduce_sum3A_304 = vector.multi_reduction <add>, %mul3A_302, %reduce_sum3A_303 [1] : vector<128x1024xf32> to vector<128xf32>
    %broadcast_in_dim3A_305 = vector.shape_cast %reduce_sum3A_304 : vector<128xf32> to vector<128x1xf32>
    %div3A_306 = arith.constant 1.024000e+03 : f32
    %div3A_307 = vector.broadcast %div3A_306 : f32 to vector<128x1xf32>
    %div3A_308 = arith.divf %broadcast_in_dim3A_305, %div3A_307 : vector<128x1xf32>
    %add3A_309 = arith.constant 9.99999974E-6 : f32
    %add3A_310 = vector.broadcast %add3A_309 : f32 to vector<128x1xf32>
    %add3A_311 = arith.addf %div3A_308, %add3A_310 : vector<128x1xf32>
    %rsqrt3A_312 = math.rsqrt %add3A_311 : vector<128x1xf32>
    %mul3A_313 = vector.broadcast %rsqrt3A_312 : vector<128x1xf32> to vector<128x1024xf32>
    %mul3A_314 = arith.mulf %sub3A_301, %mul3A_313 : vector<128x1024xf32>
    %mul3A_315 = vector.broadcast %get3A_6 : vector<1x1024xf32> to vector<128x1024xf32>
    %mul3A_316 = arith.mulf %mul3A_314, %mul3A_315 : vector<128x1024xf32>
    %add3A_317 = vector.broadcast %get3A_9 : vector<1x1024xf32> to vector<128x1024xf32>
    %add3A_318 = arith.addf %mul3A_316, %add3A_317 : vector<128x1024xf32>
    %swap3A_319 = arith.constant 0 : index
    %swap3A_320 = arith.constant 8192 : index
    %swap3A_321 = vector.load %arg9[%swap3A_319, %swap3A_320] : memref<128x10240xf32, #tpu.memory_space<vmem>>, vector<128x1024xf32>
    tpu.vector_store %arg9[%swap3A_319, %swap3A_320], %add3A_318 {strides = array<i32>} : memref<128x10240xf32, #tpu.memory_space<vmem>>, vector<128x1024xf32>,
    %add3A_322 = arith.constant 9 : i32
    %add3A_323 = arith.addi %add3A, %add3A_322 : i32
    %get3A_324 = arith.index_cast %add3A_323 : i32 to index
    %get3A_325 = arith.constant 0 : index
    %get3A_326 = vector.load %arg6[%get3A_324, %get3A_325] : memref<257x1024xf32, #tpu.memory_space<vmem>>, vector<1x1024xf32>
    %add3A_327 = vector.broadcast %get3A_326 : vector<1x1024xf32> to vector<128x1024xf32>
    %add3A_328 = arith.addf %get3A_3, %add3A_327 : vector<128x1024xf32>
    %reduce_sum3A_329 = arith.constant dense<0.000000e+00> : vector<128xf32>
    %reduce_sum3A_330 = vector.multi_reduction <add>, %add3A_328, %reduce_sum3A_329 [1] : vector<128x1024xf32> to vector<128xf32>
    %broadcast_in_dim3A_331 = vector.shape_cast %reduce_sum3A_330 : vector<128xf32> to vector<128x1xf32>
    %div3A_332 = arith.constant 1.024000e+03 : f32
    %div3A_333 = vector.broadcast %div3A_332 : f32 to vector<128x1xf32>
    %div3A_334 = arith.divf %broadcast_in_dim3A_331, %div3A_333 : vector<128x1xf32>
    %sub3A_335 = vector.broadcast %div3A_334 : vector<128x1xf32> to vector<128x1024xf32>
    %sub3A_336 = arith.subf %add3A_328, %sub3A_335 : vector<128x1024xf32>
    %mul3A_337 = arith.mulf %sub3A_336, %sub3A_336 : vector<128x1024xf32>
    %reduce_sum3A_338 = arith.constant dense<0.000000e+00> : vector<128xf32>
    %reduce_sum3A_339 = vector.multi_reduction <add>, %mul3A_337, %reduce_sum3A_338 [1] : vector<128x1024xf32> to vector<128xf32>
    %broadcast_in_dim3A_340 = vector.shape_cast %reduce_sum3A_339 : vector<128xf32> to vector<128x1xf32>
    %div3A_341 = arith.constant 1.024000e+03 : f32
    %div3A_342 = vector.broadcast %div3A_341 : f32 to vector<128x1xf32>
    %div3A_343 = arith.divf %broadcast_in_dim3A_340, %div3A_342 : vector<128x1xf32>
    %add3A_344 = arith.constant 9.99999974E-6 : f32
    %add3A_345 = vector.broadcast %add3A_344 : f32 to vector<128x1xf32>
    %add3A_346 = arith.addf %div3A_343, %add3A_345 : vector<128x1xf32>
    %rsqrt3A_347 = math.rsqrt %add3A_346 : vector<128x1xf32>
    %mul3A_348 = vector.broadcast %rsqrt3A_347 : vector<128x1xf32> to vector<128x1024xf32>
    %mul3A_349 = arith.mulf %sub3A_336, %mul3A_348 : vector<128x1024xf32>
    %mul3A_350 = vector.broadcast %get3A_6 : vector<1x1024xf32> to vector<128x1024xf32>
    %mul3A_351 = arith.mulf %mul3A_349, %mul3A_350 : vector<128x1024xf32>
    %add3A_352 = vector.broadcast %get3A_9 : vector<1x1024xf32> to vector<128x1024xf32>
    %add3A_353 = arith.addf %mul3A_351, %add3A_352 : vector<128x1024xf32>
    %swap3A_354 = arith.constant 0 : index
    %swap3A_355 = arith.constant 9216 : index
    %swap3A_356 = vector.load %arg9[%swap3A_354, %swap3A_355] : memref<128x10240xf32, #tpu.memory_space<vmem>>, vector<128x1024xf32>
    tpu.vector_store %arg9[%swap3A_354, %swap3A_355], %add3A_353 {strides = array<i32>} : memref<128x10240xf32, #tpu.memory_space<vmem>>, vector<128x1024xf32>,
    return
  }
  func.func @transform_0(%arg0: i32, %arg1: i32) -> i32 {
    %c0_i32 = arith.constant 0 : i32
    %c0_i32_0 = arith.constant 0 : i32
    return %c0_i32 : i32
  }
  func.func @transform_1(%arg0: i32, %arg1: i32) -> (i32, i32) {
    %c0_i32 = arith.constant 0 : i32
    %c0_i32_0 = arith.constant 0 : i32
    return %arg0, %c0_i32 : i32, i32
  }
  func.func @transform_2(%arg0: i32, %arg1: i32) -> (i32, i32) {
    %c0_i32 = arith.constant 0 : i32
    %c0_i32_0 = arith.constant 0 : i32
    %c0_i32_1 = arith.constant 0 : i32
    return %c0_i32, %c0_i32_0 : i32, i32
  }
  func.func @transform_3(%arg0: i32, %arg1: i32) -> (i32, i32) {
    %c0_i32 = arith.constant 0 : i32
    %c0_i32_0 = arith.constant 0 : i32
    %c0_i32_1 = arith.constant 0 : i32
    return %c0_i32, %c0_i32_0 : i32, i32
  }
  func.func @transform_4(%arg0: i32, %arg1: i32) -> (i32, i32) {
    %c0_i32 = arith.constant 0 : i32
    %c0_i32_0 = arith.constant 0 : i32
    %c0_i32_1 = arith.constant 0 : i32
    return %c0_i32, %c0_i32_0 : i32, i32
  }
  func.func @transform_5(%arg0: i32, %arg1: i32) -> (i32, i32) {
    %c0_i32 = arith.constant 0 : i32
    %c0_i32_0 = arith.constant 0 : i32
    %c0_i32_1 = arith.constant 0 : i32
    return %c0_i32, %c0_i32_0 : i32, i32
  }
  func.func @transform_6(%arg0: i32, %arg1: i32) -> (i32, i32) {
    %c0_i32 = arith.constant 0 : i32
    %c0_i32_0 = arith.constant 0 : i32
    %c0_i32_1 = arith.constant 0 : i32
    return %c0_i32, %c0_i32_0 : i32, i32
  }
  func.func @transform_7(%arg0: i32, %arg1: i32) -> (i32, i32) {
    %c0_i32 = arith.constant 0 : i32
    return %arg0, %arg1 : i32, i32
  }
}

</mosaic_0001>

<sc_bundles>
// kernel: sparse-core-data-format-call.cloned.1.call-start
scs
called_computation_lowered:
.L_overlay_start_0:
0x0: {  	s2 =	sld [smem:$0x3FD9]  }
0x1: {  	s3 =	sld [smem:$0x3FFE];
	_ =	sdelay $0x1  }
0x2: {  	s1 =	srdreg.scid  }
0x3: {  	s0 =	sand.u32 $0x1, s1  }
0x4: {  	s18 =	sshll.u32 s0, $0xA;
	s2 =	sadd.s32 s3, s2  }
0x5: {  	s2 =	sadd.s32 s2, s18  }
0x6: {  	[smem:$0x3FC0] =	sst s2  }
0x7: {  	_ = 	snop  }
0x8: {  	s2 =	sld [smem:$0x3FD0];
	(tm) =	ssettm $0x1  }
0x9: {  	s19 =	sld [smem:$0x3FFB];
	_ =	sdelay $0x3  }
0xa: {  	_ =	strace s19  }
0xb: {  	s3 =	sld [smem:$0x3FFC];
	_ =	sdelay $0x3  }
0xc: {  	_ =	strace s3  }
0xd: {  	s3 =	sld [smem:$0x3FFD];
	_ =	sdelay $0x3  }
0xe: {  	_ =	strace s3  }
0xf: {  	_ =	strace $0x8FFFFFFF  }
0x10: {  	s20 =	sld [smem:$0x3FDB];
	_ =	sdelay $0x1  }
0x11: {  	s4 =	simm.s32 $_scs_section_size  }
0x12: {  	s5 =	simm.s32 $_size__tile_overlayer_lowered;
	s6 =	simm.s32 $_tile_overlayer_lowered  }
0x13: {  	s23 =	simm.s32 $0x1BFF;
	s22 =	sshll.u32 s6, $0x1;
	s3 =	sadd.s32 s4, s20  }
0x14: {  	s7 =	simm.s32 $0x0;
	s21 =	sshll.u32 s5, $0x1;
	s5 =	sadd.s32 s22, s3  }
0x15: {  	[timem:s7], [sflag:s23] =	dma.local [hbm:s5], s21  }
0x16: {  	_ =	swait.ge [sflag:s23], s21  }
0x17: {  	s4 =	ssub.s32 $0x0, s21;
	[sflag:s23] =	ssyncset.done $0x0  }
0x18: {  	[sflag:s23] =	ssyncadd.s32 s4;
	_ =	sdelay $0x1  }
0x19: {  	s24 =	simm.s32 $0x1B8B  }
0x1a: {  	_ =	swait.ge [sflag:s24], $0x1  }
0x1b: {  	[sflag:s24] =	ssyncset.done $0x0  }
0x1c: {  	s26 =	simm.s32 $0x1B8E;
	s25 =	sld [smem:$0x3FFE];
	[sflag:s24] =	ssyncadd.s32 $0xFFFFFFFF  }
0x1d: {  	s27 =	simm.s32 $execute0_lowered;
	[smem:$0x3FD2] =	sst s26  }
0x1e: {  	s5 =	sshll.u32 s27, $0x1;
	_ =	strace $0x80000046;
	[dreg:$0x1] =	wrdreg $0xFFFFFFFF  }
0x1f: {  	s28 =	simm.s32 $_size_execute0_lowered;
	s3 =	sadd.s32 s3, s5;
	[dreg:$0x0] =	wrdreg $0x0  }
0x20: {  	s5 =	sshll.u32 s28, $0x1;
	[dreg:$0x2] =	wrdreg s3  }
0x21: {  	[dreg:$0x3] =	wrdreg s5  }
0x22: {  	[dreg:$0x4] =	wrdreg $0xC0  }
0x23: {  	_ =	task [dreg:s7], $0x5FFFF  }
0x24: {  	[dreg:$0x1] =	wrdreg $0xFFFFFFFF  }
0x25: {  	[dreg:$0x0] =	wrdreg $0x60  }
0x26: {  	[dreg:$0x2] =	wrdreg s25  }
0x27: {  	[dreg:$0x3] =	wrdreg s2  }
0x28: {  	[dreg:$0x4] =	wrdreg $0x9  }
0x29: {  	_ =	task.clear_ibuf [dreg:s7], $0x5FFFF;
	_ =	strace $0x90000046  }
0x2a: {  	s29 =	simm.s32 $0x9;
	_ =	strace $0x80000048  }
0x2b: {  	_ =	swait.ge [sflag:s29], $0x1  }
0x2c: {  	[sflag:s29] =	ssyncadd.s32 $0xFFFFFFFF  }
0x2d: {  	_ =	strace $0x90000048  }
0x2e: {  	_ =	sfence  }
0x2f: {  	s30 =	sld [smem:$0x0];
	_ =	sdelay $0x2  }
0x30: {  	s31 =	sshll.u32 s1, $0xD;
	s1 =	sshrl.u32 s1, $0x2  }
0x31: {  	s3 =	sand.u32 $0x4000, s31;
	s1 =	sadd.s32 s1, s30  }
0x32: {  	s0 =	sor.u32 s3, s0;
	s1 =	sshll.u32 s1, $0x11  }
0x33: {  	s0 =	sor.u32 s1, s0  }
0x34: {  	s0 =	sadd.s32 $0x8F2B, s0  }
0x35: {  	[sflag:s0] =	ssyncadd.remote.s32 $0x1  }
0x36: {  	_ =	sfence.sel $0xFFFF  }
0x37: {  	[dreg:$0x0] =	wrdreg $0xFFFFFFFF;
	(pc) =	sbr.abs _section_cstart, $3  }
0x38: {  	[dreg:$0x1] =	wrdreg $0xFFFFFFFF  }
0x39: {  	_ =	task.clear_ibuf [dreg:s7], $0x2FFFF;
	_ =	strace $0x9FFFFFFF  }
0x3a: {  	(tm) =	ssettm $0x7FFFFFFF  }
0x3b: {  	_ =	shalt  }
tec
execute0_lowered:
.L_overlay_start_1:
0x0: {  	(tag) =	ssettag $0x1  }
0x1: {  	s0 =	stileid.u32;
	s1 =	srdreg.scid  }
0x2: {  	s2 =	sshll.u32 s0, $0x7;
	s3 =	sshll.u32 s0, $0x4;
	s4 =	sshll.u32 s1, $0x8  }
0x3: {  	s7 =	rddreg [dreg:$0x0];
	s1 =	sand.u32 $0x380, s2;
	s29 =	sor.u32 s3, s4  }
0x4: {  	s8 =	simm.s32 $0x2;
	s2 =	sand.u32 $0x180, s29;
	s30 =	ssub.s32 $0x400, s1  }
0x5: {  	s16 =	simm.s32 $0x0;
	s31 =	sand.u32 $0x380, s30;
	s5 =	ssub.s32 $0x400, s2  }
0x6: {  	s4 =	simm.s32 $0x1;
	p0 =	sne.s32 s31, $0x0;
	s6 =	sand.u32 $0x180, s5  }
0x7: {  	s4 =	simm.s32 @!p0 $0x0;
	p0 =	sne.s32 s6, $0x0;
	s6 =	simm.s32 $0x1  }
0x8: {  	s3 =	sshrl.u32 s30, $0xA;
	s5 =	sshrl.u32 s5, $0x9;
	s6 =	simm.s32 @!p0 $0x0  }
0x9: {  	s9 =	simm.s32 $0x2000;
	s3 =	sadd.s32 s4, s3;
	s5 =	sadd.s32 s6, s5  }
0xa: {  	s14 =	simm.s32 $0x0;
	s15 =	simm.s32 $0x0;
	s6 =	smul.u32 s5, s3  }
.Ltmp0:
0xb: {  	s12 =	simm.s32 $0x0;
	s4 =	rddreg [dreg:$0x1];
	(pc) =	sbr.rel .LBB1_1-.Ltmp0, $4  }
0xc: {  	s13 =	simm.s32 $0x0;
	s7 =	sadd.s32 $0x1000, s7;
	s3 =	rddreg [dreg:$0x2]  }
0xd: {  	_ =	strace $0x80000047;
	s5 =	simm.s32 $0x1;
	s6 =	smul.u32 $0x32, s6  }
0xe: {  	s11 =	smov.u32 s1;
	s10 =	smov.u32 s2;
	[sflag:s5] =	ssyncpa.u1 $0x0  }
0xf: {  	p0 =	por $0x0, $0x0;
	[sflag:s8] =	ssyncpa.u1 $0x0;
	s8 =	sor.u32 $0x1, s6  }
.LBB1_4:
0x10: {  	v5 =	vld [tilespmem:s20+$0xFFFFFFD0];
	[tilespmem:s19+$0x2040 ss:$0x81] =	vst.msk $0xffff, v1  }
0x11: {  	v58 =	vld [tilespmem:s20+$0xFFFFFFE0];
	[tilespmem:s19+$0x2850 ss:$0x81] =	vst.msk $0xffff, v2  }
0x12: {  	s21 =	sshra.s32 s21, $0x2;
	v59 =	vld [tilespmem:s20+$0xFFFFFFF0];
	[tilespmem:s19+$0x3060 ss:$0x81] =	vst.msk $0xffff, v3  }
0x13: {  	v60 =	vld [tilespmem:s20+$0x0];
	[tilespmem:s19+$0x0 ss:$0x81] =	vst.msk $0xffff, v0;
	s18 =	sadd.s32 s21, s18  }
0x14: {  	v61 =	vld [tilespmem:s20+$0x10];
	[tilespmem:s18+$0x3870 ss:$0x81] =	vst.msk $0xffff, v4  }
0x15: {  	v62 =	vld [tilespmem:s20+$0x20];
	s26 =	sshll.u32 s16, $0xA;
	s27 =	sshll.u32 s14, $0x3;
	[tilespmem:s18+$0x810 ss:$0x81] =	vst.msk $0xffff, v5  }
0x16: {  	v63 =	vld [tilespmem:s20+$0xFFFFFFC0];
	s29 =	sshll.u32 s16, $0x7;
	s30 =	sand.u32 $0x78, s14;
	s15 =	sshll.u32 s15, $0x11;
	[tilespmem:s18+$0x1020 ss:$0x81] =	vst.msk $0xffff, v58  }
0x17: {  	s19 =	sand.u32 $0xFE000, s26;
	s28 =	sand.u32 $0xFFC00, s27;
	s16 =	sand.u32 $0x380, s29;
	[tilespmem:s18+$0x1830 ss:$0x81] =	vst.msk $0xffff, v59  }
0x18: {  	s31 =	sand.u32 $0x7, s14;
	s19 =	sadd.s32 s28, s19;
	s16 =	sor.u32 s30, s16;
	[tilespmem:s18+$0x2040 ss:$0x81] =	vst.msk $0xffff, v60  }
0x19: {  	s15 =	sadd.s32 s4, s15;
	s19 =	sshrl.u32 s19, $0x3;
	s16 =	sshrl.u32 s16, $0x3;
	[tilespmem:s18+$0x2850 ss:$0x81] =	vst.msk $0xffff, v61  }
0x1a: {  	s14 =	sshll.u32 s31, $0x12;
	s19 =	sand.u32 $0x1FF80, s19;
	s15 =	sadd.s32 s16, s15;
	[tilespmem:s18+$0x3060 ss:$0x81] =	vst.msk $0xffff, v62  }
0x1b: {  	s14 =	sor.u32 $0x400, s14;
	[tilespmem:s18+$0x0 ss:$0x81] =	vst.msk $0xffff, v63;
	s15 =	sadd.s32 s19, s15  }
0x1c: {  	[hbm4b:s15+s14] =	stream.strided.scatter [tilespmem:s17], [sflag:$0x2], $0x4000, s9, s14, $0x20;
	[tilespmem:$0x10100] =	vst v63  }
.LBB1_5:
0x1d: {  	s17 =	sadd.s32 $0x200, s10  }
0x1e: {  	s14 =	sadd.s32 $0x400, s11;
	s18 =	smov.u32 s11;
	p2 =	sgt.s32 s17, $0x3FF  }
0x1f: {  	s18 =	smov.u32 @p2 s14  }
0x20: {  	s14 =	simm.s32 $0x1;
	p3 =	sgt.s32 s18, $0x3FF  }
0x21: {  	s14 =	simm.s32 @!p3 $0x0  }
0x22: {  	s20 =	sadd.s32 s14, s12  }
0x23: {  	s17 =	smov.u32 @p2 s2;
	p2 =	sgt.s32 s20, $0x31  }
0x24: {  	p1 =	slt.u32 s13, $0x2;
	s20 =	simm.s32 @p2 $0x0;
	p2 =	sne.s32 s13, s8  }
.Ltmp1:
0x25: {  	s19 =	simm.s32 @!p1 $0x2;
	(pc) =	sbr.rel @!p2 .LBB1_6-.Ltmp1, $4  }
0x26: {  	s16 =	smov.u32 s10;
	s15 =	smov.u32 s12;
	_ =	swait.ge @!p1 [sflag:s19], $0x4000  }
0x27: {  	p0 =	por !p0, !p0;
	[sflag:s19] =	ssyncset.done @!p1 $0x0;
	s10 =	smov.u32 s17  }
0x28: {  	s18 =	smov.u32 @p3 s1;
	[sflag:s19] =	ssyncadd.s32 @!p1 $0xFFFFC000;
	s14 =	smov.u32 s11  }
0x29: {  	s11 =	smov.u32 s18;
	s13 =	sadd.s32 $0x1, s13;
	s12 =	smov.u32 s20  }
.LBB1_1:
0x2a: {  	p1 =	sge.u32 s13, s6  }
0x2b: {  	s31 =	sadd.s32 $0xFFFFFFFF, s13;
	s17 =	sshll.u32 @!p1 s11, $0x7  }
0x2c: {  	s18 =	sxor.u32 @!p1 $0xFFFFFFFF, s13;
	s19 =	sand.u32 @!p1 $0x78, s10;
	s20 =	sand.u32 @!p1 $0x380, s17  }
0x2d: {  	s18 =	sshll.u32 @!p1 s18, $0xE;
	s19 =	sor.u32 @!p1 s19, s20;
	s20 =	sshll.u32 @!p1 s12, $0x11  }
0x2e: {  	s17 =	sand.u32 @!p1 $0x1FC00, s17;
	s19 =	sshrl.u32 @!p1 s19, $0x3;
	s20 =	sadd.s32 @!p1 s7, s20  }
0x2f: {  	s17 =	sadd.s32 @!p1 s10, s17;
	s19 =	sadd.s32 @!p1 s19, s20;
	s20 =	sand.u32 @!p1 $0x7, s10  }
0x30: {  	s18 =	sand.u32 @!p1 $0x4000, s18;
	s17 =	sand.u32 @!p1 $0x1FF80, s17;
	s20 =	sshll.u32 @!p1 s20, $0x12  }
0x31: {  	s17 =	sadd.s32 @!p1 s17, s19;
	s19 =	sor.u32 @!p1 $0x400, s20;
	s20 =	simm.s32 @!p1 $0x2000  }
0x32: {  	[tilespmem:s18], [sflag:$0x1] =	stream.strided.gather @!p1 [hbm4b:s17+s19], $0x4000, s20, s19, $0x38;
	[tilespmem:$0x10100] =	vst v63  }
0x33: {  	p1 =	sge.u32 s31, s6  }
.Ltmp2:
0x34: {  	_ = 	snop;
	(pc) =	sbr.rel @p1 .LBB1_5-.Ltmp2, $1  }
0x35: {  	_ =	sdelay $0x3  }
0x36: {  	s17 =	simm.s32 $0x1  }
0x37: {  	_ =	swait.ge [sflag:s5], $0x4000;
	s17 =	simm.s32 @!p0 $0x0  }
0x38: {  	[sflag:s5] =	ssyncset.done $0x0;
	s18 =	sshll.u32 s17, $0xE  }
0x39: {  	[sflag:s5] =	ssyncadd.s32 $0xFFFFC000;
	s20 =	sor.u32 $0x40, s18  }
0x3a: {  	s17 =	smul.u32 $0x10200, s17;
	v0 =	vld [tilespmem:s20+$0x30]  }
0x3b: {  	v3 =	vld [tilespmem:s20+$0xFFFFFFD0]  }
0x3c: {  	s17 =	sshrl.u32 s17, $0x2;
	v4 =	vld [tilespmem:s20+$0xFFFFFFE0]  }
0x3d: {  	v5 =	vld [tilespmem:s20+$0xFFFFFFF0];
	s18 =	sor.u32 $0x8000, s17  }
0x3e: {  	s31 =	sand.u32 $0x1, s13;
	v1 =	vld [tilespmem:s20+$0x0];
	s19 =	sadd.s32 $0x0, s18  }
0x3f: {  	v2 =	vld [tilespmem:s20+$0x10];
	s17 =	smul.u32 $0x10200, s31;
	[tilespmem:s19+$0x3870 ss:$0x81] =	vst.msk $0xffff, v0  }
0x40: {  	[tilespmem:s19+$0x810 ss:$0x81] =	vst.msk $0xffff, v3;
	v3 =	vld [tilespmem:s20+$0x20]  }
0x41: {  	s17 =	sshrl.u32 s17, $0x2;
	v0 =	vld [tilespmem:s20+$0xFFFFFFC0];
	[tilespmem:s19+$0x1020 ss:$0x81] =	vst.msk $0xffff, v4;
	s20 =	sadd.s32 $0x80, s20  }
0x42: {  	s21 =	simm.s32 $0x4;
	s22 =	simm.s32 $0x8;
	s17 =	sor.u32 $0x8000, s17;
	[tilespmem:s19+$0x1830 ss:$0x81] =	vst.msk $0xffff, v5;
	v4 =	vld [tilespmem:s20+$0x30]  }
.LBB1_3:
0x43: {  	p1 =	sne.s32 s22, $0x1FC;
	v5 =	vld [tilespmem:s20+$0xFFFFFFD0];
	[tilespmem:s19+$0x2040 ss:$0x81] =	vst.msk $0xffff, v1  }
0x44: {  	v6 =	vld [tilespmem:s20+$0xFFFFFFE0];
	[tilespmem:s19+$0x2850 ss:$0x81] =	vst.msk $0xffff, v2  }
0x45: {  	s23 =	sshra.s32 s21, $0x2;
	s21 =	smov.u32 s22;
	v7 =	vld [tilespmem:s20+$0xFFFFFFF0];
	[tilespmem:s19+$0x3060 ss:$0x81] =	vst.msk $0xffff, v3  }
.Ltmp3:
0x46: {  	v1 =	vld [tilespmem:s20+$0x0];
	[tilespmem:s19+$0x0 ss:$0x81] =	vst.msk $0xffff, v0;
	s19 =	sadd.s32 s23, s18;
	(pc) =	sbr.rel @p1 .LBB1_3-.Ltmp3, $4  }
0x47: {  	v2 =	vld [tilespmem:s20+$0x10];
	[tilespmem:s19+$0x3870 ss:$0x81] =	vst.msk $0xffff, v4  }
0x48: {  	[tilespmem:s19+$0x810 ss:$0x81] =	vst.msk $0xffff, v5;
	v3 =	vld [tilespmem:s20+$0x20]  }
0x49: {  	v0 =	vld [tilespmem:s20+$0xFFFFFFC0];
	[tilespmem:s19+$0x1020 ss:$0x81] =	vst.msk $0xffff, v6;
	s20 =	sadd.s32 $0x80, s20  }
0x4a: {  	s22 =	sadd.s32 $0x4, s22;
	v4 =	vld [tilespmem:s20+$0x30];
	[tilespmem:s19+$0x1830 ss:$0x81] =	vst.msk $0xffff, v7  }
.Ltmp4:
0x4b: {  	_ = 	snop;
	(pc) =	sbr.rel .LBB1_4-.Ltmp4, $1  }
0x4c: {  	_ =	sdelay $0x3  }
.LBB1_6:
0x4d: {  	_ =	sfence.sel $0x180000  }
0x4e: {  	s1 =	simm.s32 $0x1;
	[bflag:$0x0] =	sbarrier.arrive $0xFFFF  }
0x4f: {  	s31 =	simm.s32 $0x2;
	[sflag:s1] =	ssyncpa.u1 $0x1  }
0x50: {  	[sflag:s31] =	ssyncpa.u1 $0x1  }
0x51: {  	p0 =	sne.s32 s0, $0x0;
	_ =	strace $0x90000047  }
0x52: {  	s0 =	sadd.s32 @!p0 $0x100000, s3;
	[bflag:$0x2] =	sbarrier.arrive $0xFFFF  }
0x53: {  	[sflag:s0] =	ssyncadd.tile.s32 @!p0 $0x1;
	_ =	shalt  }
.Lfunc_end1:
_tile_overlayer_lowered:
.L_overlay_start_2:
0x54: {  	(tag) =	ssettag $0x2  }
0x55: {  	s0 =	rddreg [dreg:$0x0];
	s2 =	stileid.u32  }
0x56: {  	s1 =	rddreg [dreg:$0x1];
	p0 =	sne.s32 s2, $0x0  }
0x57: {  	s3 =	rddreg [dreg:$0x2];
	[bflag:$0x3] =	sbarrier.arrive $0xFFFF;
	s2 =	simm.s32 @!p0 $0x1C01  }
0x58: {  	[timem:s3], [sflag:s2] =	dma.local @!p0 [hbm:s0], s1  }
0x59: {  	s0 =	simm.s32 @!p0 $0x1  }
0x5a: {  	_ =	swait.ge @!p0 [sflag:s0], s1  }
0x5b: {  	s1 =	ssub.s32 @!p0 $0x0, s1;
	[sflag:s0] =	ssyncset.done @!p0 $0x0  }
0x5c: {  	[sflag:s0] =	ssyncadd.s32 @!p0 s1  }
0x5d: {  	[bflag:$0x3] =	sbarrier.arrive $0xFFFF  }
0x5e: {  	_ =	shalt  }

</sc_bundles>
